<compile_context>
chip_gen: v7x
topology: tpu7x:2x2x1
jax: 0.10.2.dev20260603
libtpu: 0.0.44.dev20260713+nightly
codegen_flags: <defaults>
</compile_context>

<pallas_src>
import functools

import jax
import jax.numpy as jnp
from jax import lax
from jax.experimental import pallas as pl
from jax.experimental.pallas import tpu as pltpu
from jax.experimental.pallas import tpu_sc as plsc

C = 128
N = 10000
E = 320000
NC, NS, L = 2, 16, 16
NW = NC * NS
CPT = C // NW
EBLK = 4000
NBLK = E // EBLK
NCHUNK = EBLK // L


def _sc_scatter_max(xflat, iv, jv, *, interpret=False):
    mesh = plsc.VectorSubcoreMesh(
        core_axis_name="c", subcore_axis_name="s",
        num_cores=NC, num_subcores=NS)

    @functools.partial(
        pl.kernel,
        out_type=jax.ShapeDtypeStruct((C * N,), jnp.float32),
        mesh=mesh,
        interpret=interpret,
        compiler_params=pltpu.CompilerParams(needs_layout_passes=False),
        scratch_types=[
            pltpu.VMEM((CPT * N,), jnp.float32),
            pltpu.VMEM((CPT * N,), jnp.float32),
            pltpu.VMEM((EBLK,), jnp.int32),
            pltpu.VMEM((EBLK,), jnp.int32),
        ],
    )
    def k(x_hbm, i_hbm, j_hbm, out_hbm, xloc, acc, ibuf, jbuf):
        wid = lax.axis_index("s") * NC + lax.axis_index("c")
        base = wid * (CPT * N)
        pltpu.sync_copy(x_hbm.at[pl.ds(base, CPT * N)], xloc)

        neg = jnp.full((L,), -jnp.inf, jnp.float32)

        def init_body(t, _):
            acc[pl.ds(t * L, L)] = neg
            return 0

        lax.fori_loop(0, CPT * N // L, init_body, 0)

        def blk_body(bi, _):
            eb = bi * EBLK
            pltpu.sync_copy(i_hbm.at[pl.ds(eb, EBLK)], ibuf)
            pltpu.sync_copy(j_hbm.at[pl.ds(eb, EBLK)], jbuf)

            def chunk_body(kk, _):
                off = kk * L
                iv16 = ibuf[pl.ds(off, L)]
                jv16 = jbuf[pl.ds(off, L)]
                pairs = []
                for cl in range(CPT):
                    aidx = iv16 + (cl * N)
                    jidx = jv16 + (cl * N)
                    v = plsc.load_gather(xloc, [jidx])
                    cur = plsc.load_gather(acc, [aidx])
                    plsc.store_scatter(acc, [aidx], jnp.maximum(cur, v))
                    pairs.append((aidx, v))

                def lost(_c):
                    m = None
                    for aidx, v in pairs:
                        mc = plsc.load_gather(acc, [aidx]) < v
                        m = mc if m is None else (m | mc)
                    return jnp.any(m)

                def fix(_c):
                    for aidx, v in pairs:
                        cur = plsc.load_gather(acc, [aidx])
                        plsc.store_scatter(
                            acc, [aidx], jnp.maximum(cur, v), mask=cur < v)
                    return 0

                lax.while_loop(lost, fix, 0)
                return 0

            lax.fori_loop(0, NCHUNK, chunk_body, 0)
            return 0

        lax.fori_loop(0, NBLK, blk_body, 0)
        pltpu.sync_copy(acc, out_hbm.at[pl.ds(base, CPT * N)])

    return k(xflat, iv, jv)


def _tc_finalize(x2d, macc, We, Wo, b2, *, interpret=False):
    def body(x_ref, m_ref, we_ref, wo_ref, b_ref, o_ref):
        x = x_ref[...]
        m = m_ref[...]
        xj = jnp.where(m == -jnp.inf, 0.0, m - x)
        y = (
            jnp.dot(we_ref[...], x, preferred_element_type=jnp.float32,
                    precision=lax.Precision.HIGHEST)
            + jnp.dot(wo_ref[...], xj, preferred_element_type=jnp.float32,
                      precision=lax.Precision.HIGHEST)
            + b_ref[...]
        )
        o_ref[...] = jnp.maximum(y, 0.0)

    return pl.pallas_call(
        body,
        out_shape=jax.ShapeDtypeStruct((C, N), jnp.float32),
        interpret=interpret,
    )(x2d, macc, We, Wo, b2)


def kernel(x, edge_index, W, b):
    x2d = x[0, :, :, 0]
    ei = edge_index.astype(jnp.int32)
    maccflat = _sc_scatter_max(x2d.reshape(-1), ei[0], ei[1])
    macc = maccflat.reshape(C, N)
    y = _tc_finalize(x2d, macc, W[:, 0::2], W[:, 1::2], b[:, None])
    return y[None, :, :, None]

# --- scband reference (transcript-rebuilt; emitter-appended) ---
"""Pipeline reference for scband-mrconv2d-22333829939359 (READ-ONLY COPY).

The authoritative reference and input builder live on the scoring server;
editing this copy changes nothing except your own understanding.
"""

import jax, jax.numpy as jnp
import numpy as np


def setup_inputs(seed: int = 0) -> dict:
    key = jax.random.key(seed)
    k_x, k_e, k_w, k_b = jax.random.split(key, 4)
    B, C, N = 1, 128, 10000
    E = 320000
    out_c = 128
    x = jax.random.normal(k_x, (B, C, N, 1), dtype=jnp.float32)
    edge_index = jax.random.randint(k_e, (2, E), 0, B * N, dtype=jnp.int64)
    # BasicConv([2C, out_c], act='relu', norm=None, bias=True): 1x1 Conv2d weight + bias
    W = jax.random.normal(k_w, (out_c, 2 * C), dtype=jnp.float32) * (1.0 / np.sqrt(2 * C))
    b = jnp.zeros((out_c,), dtype=jnp.float32)
    return {"x": x, "edge_index": edge_index, "W": W, "b": b}


def reference(x, edge_index, W, b):
    B, C, N, _ = x.shape
    # x.squeeze(-1).permute(1,0,2).reshape(C,-1).permute(1,0) -> [B*N, C]
    x_all = jnp.transpose(x[..., 0], (1, 0, 2)).reshape(C, -1).T
    x_i = jnp.take(x_all, edge_index[0], axis=0)
    x_j = jnp.take(x_all, edge_index[1], axis=0)
    x_j = x_j - x_i
    # scatter-max over destination nodes (torch_scatter fills empty segments with 0)
    out = jax.ops.segment_max(x_j.astype(jnp.float32), edge_index[0], num_segments=B * N)
    out = jnp.where(jnp.isneginf(out), jnp.zeros_like(out), out)
    # .to(float16).unsqueeze(-1).reshape(B, N, C).permute(0,2,1).unsqueeze(3)
    xj = out.astype(jnp.float16).reshape(B, N, C)
    xj = jnp.transpose(xj, (0, 2, 1))[..., None].astype(jnp.float32)
    # cat([x.unsqueeze(2), xj.unsqueeze(2)], dim=2).reshape(B, 2C, N, 1) -> interleaved channels
    x2 = jnp.concatenate([x[:, :, None, :, :], xj[:, :, None, :, :]], axis=2).reshape(B, 2 * C, N, 1)
    # BasicConv: 1x1 conv + bias + relu
    y = jnp.einsum('bcnq,oc->bonq', x2, W) + b[None, :, None, None]
    return jax.nn.relu(y)

if __name__ == "__main__":
    import jax
    _d = setup_inputs()
    print(jax.jit(kernel)(*tuple(_d.values())))

</pallas_src>

<mosaic_0001>
#map = affine_map<(d0, d1) -> (0)>
module attributes {stable_mosaic.version = 14 : i64} {
  func.func @k(%arg0: i32, %arg1: i32, %arg2: memref<1280000xf32, #tpu.memory_space<hbm>>, %arg3: memref<320000xi32, #tpu.memory_space<hbm>>, %arg4: memref<320000xi32, #tpu.memory_space<hbm>>, %arg5: memref<1280000xf32, #tpu.memory_space<hbm>>, %arg6: memref<40000xf32, #tpu.memory_space<vmem>>, %arg7: memref<40000xf32, #tpu.memory_space<vmem>>, %arg8: memref<4000xi32, #tpu.memory_space<vmem>>, %arg9: memref<4000xi32, #tpu.memory_space<vmem>>) attributes {dimension_semantics = [#tpu.dimension_semantics<core_parallel>, #tpu.dimension_semantics<subcore_parallel>], iteration_bounds = array<i64: 2, 16>, scalar_prefetch = 0 : i64, scratch_operands = 4 : i64, tpu.core_type = #tpu.core_type<sc_vector_subcore>, window_params = [{transform_indices = #map}, {transform_indices = #map}, {transform_indices = #map}, {transform_indices = #map}]} {
    %mul3A = arith.constant 2 : i32
    %mul3A_0 = arith.muli %arg1, %mul3A : i32
    %add3A = arith.addi %mul3A_0, %arg0 : i32
    %mul3A_1 = arith.constant 40000 : i32
    %mul3A_2 = arith.muli %add3A, %mul3A_1 : i32
    "tpu.region"() ({
      %run_scoped3A = tpu.sem_alloc : memref<!tpu.dma_semaphore, #tpu.memory_space<semaphore_mem>>
      %dma_start3A = tpu.memref_slice %arg2[%mul3A_2] : memref<1280000xf32, #tpu.memory_space<hbm>> -> memref<40000xf32, #tpu.memory_space<hbm>>
      %dma_start3A_17 = tpu.memref_slice %arg2[%mul3A_2] : memref<1280000xf32, #tpu.memory_space<hbm>> -> memref<40000xf32, #tpu.memory_space<hbm>>
      tpu.enqueue_dma source(%dma_start3A_17 : memref<40000xf32, #tpu.memory_space<hbm>>) target(%arg6 : memref<40000xf32, #tpu.memory_space<vmem>>) target_semaphore(%run_scoped3A : memref<!tpu.dma_semaphore, #tpu.memory_space<semaphore_mem>>)
      %dma_wait3A = tpu.memref_slice %arg2[%mul3A_2] : memref<1280000xf32, #tpu.memory_space<hbm>> -> memref<40000xf32, #tpu.memory_space<hbm>>
      %dma_wait3A_18 = tpu.memref_slice %arg2[%mul3A_2] : memref<1280000xf32, #tpu.memory_space<hbm>> -> memref<40000xf32, #tpu.memory_space<hbm>>
      tpu.wait_dma2 semaphore(%run_scoped3A : memref<!tpu.dma_semaphore, #tpu.memory_space<semaphore_mem>>) src(%dma_wait3A_18 : memref<40000xf32, #tpu.memory_space<hbm>>) dst(%arg6 : memref<40000xf32, #tpu.memory_space<vmem>>)
      tpu.yield
    }) : () -> ()
    %broadcast_in_dim3A = arith.constant 0xFF800000 : f32
    %broadcast_in_dim3A_3 = vector.broadcast %broadcast_in_dim3A : f32 to vector<16xf32>
    %scan3A = arith.constant 0 : i32
    %scan3A_4 = arith.constant 0 : i32
    %scan3A_5 = arith.constant 2500 : i32
    %scan3A_6 = arith.addi %scan3A_4, %scan3A_5 : i32
    %scan3A_7 = arith.constant 1 : i32
    %scan3A_8 = scf.for %scan3A_17 = %scan3A_4 to %scan3A_6 step %scan3A_7 iter_args(%scan3A_18 = %scan3A) -> (i32)  : i32 {
      %mul3A_19 = arith.constant 16 : i32
      %mul3A_20 = arith.muli %scan3A_17, %mul3A_19 : i32
      %swap3A = arith.index_cast %mul3A_20 : i32 to index
      %swap3A_21 = tpu.vector_load %arg7[%swap3A] {strides = array<i32>} : memref<40000xf32, #tpu.memory_space<vmem>>, vector<16xf32>,
      tpu.vector_store %arg7[%swap3A], %broadcast_in_dim3A_3 {strides = array<i32>} : memref<40000xf32, #tpu.memory_space<vmem>>, vector<16xf32>,
      %scan3A_22 = arith.constant 0 : i32
      scf.yield %scan3A_22 : i32
    }
    %scan3A_9 = arith.constant 2500 : i32
    %scan3A_10 = arith.constant 0 : i32
    %scan3A_11 = arith.constant 0 : i32
    %scan3A_12 = arith.constant 80 : i32
    %scan3A_13 = arith.addi %scan3A_11, %scan3A_12 : i32
    %scan3A_14 = arith.constant 1 : i32
    %scan3A_15 = scf.for %scan3A_17 = %scan3A_11 to %scan3A_13 step %scan3A_14 iter_args(%scan3A_18 = %scan3A_10) -> (i32)  : i32 {
      %mul3A_19 = arith.constant 4000 : i32
      %mul3A_20 = arith.muli %scan3A_17, %mul3A_19 : i32
      "tpu.region"() ({
        %run_scoped3A = tpu.sem_alloc : memref<!tpu.dma_semaphore, #tpu.memory_space<semaphore_mem>>
        %dma_start3A = tpu.memref_slice %arg3[%mul3A_20] : memref<320000xi32, #tpu.memory_space<hbm>> -> memref<4000xi32, #tpu.memory_space<hbm>>
        %dma_start3A_29 = tpu.memref_slice %arg3[%mul3A_20] : memref<320000xi32, #tpu.memory_space<hbm>> -> memref<4000xi32, #tpu.memory_space<hbm>>
        tpu.enqueue_dma source(%dma_start3A_29 : memref<4000xi32, #tpu.memory_space<hbm>>) target(%arg8 : memref<4000xi32, #tpu.memory_space<vmem>>) target_semaphore(%run_scoped3A : memref<!tpu.dma_semaphore, #tpu.memory_space<semaphore_mem>>)
        %dma_wait3A = tpu.memref_slice %arg3[%mul3A_20] : memref<320000xi32, #tpu.memory_space<hbm>> -> memref<4000xi32, #tpu.memory_space<hbm>>
        %dma_wait3A_30 = tpu.memref_slice %arg3[%mul3A_20] : memref<320000xi32, #tpu.memory_space<hbm>> -> memref<4000xi32, #tpu.memory_space<hbm>>
        tpu.wait_dma2 semaphore(%run_scoped3A : memref<!tpu.dma_semaphore, #tpu.memory_space<semaphore_mem>>) src(%dma_wait3A_30 : memref<4000xi32, #tpu.memory_space<hbm>>) dst(%arg8 : memref<4000xi32, #tpu.memory_space<vmem>>)
        tpu.yield
      }) : () -> ()
      "tpu.region"() ({
        %run_scoped3A = tpu.sem_alloc : memref<!tpu.dma_semaphore, #tpu.memory_space<semaphore_mem>>
        %dma_start3A = tpu.memref_slice %arg4[%mul3A_20] : memref<320000xi32, #tpu.memory_space<hbm>> -> memref<4000xi32, #tpu.memory_space<hbm>>
        %dma_start3A_29 = tpu.memref_slice %arg4[%mul3A_20] : memref<320000xi32, #tpu.memory_space<hbm>> -> memref<4000xi32, #tpu.memory_space<hbm>>
        tpu.enqueue_dma source(%dma_start3A_29 : memref<4000xi32, #tpu.memory_space<hbm>>) target(%arg9 : memref<4000xi32, #tpu.memory_space<vmem>>) target_semaphore(%run_scoped3A : memref<!tpu.dma_semaphore, #tpu.memory_space<semaphore_mem>>)
        %dma_wait3A = tpu.memref_slice %arg4[%mul3A_20] : memref<320000xi32, #tpu.memory_space<hbm>> -> memref<4000xi32, #tpu.memory_space<hbm>>
        %dma_wait3A_30 = tpu.memref_slice %arg4[%mul3A_20] : memref<320000xi32, #tpu.memory_space<hbm>> -> memref<4000xi32, #tpu.memory_space<hbm>>
        tpu.wait_dma2 semaphore(%run_scoped3A : memref<!tpu.dma_semaphore, #tpu.memory_space<semaphore_mem>>) src(%dma_wait3A_30 : memref<4000xi32, #tpu.memory_space<hbm>>) dst(%arg9 : memref<4000xi32, #tpu.memory_space<vmem>>)
        tpu.yield
      }) : () -> ()
      %scan3A_21 = arith.constant 0 : i32
      %scan3A_22 = arith.constant 0 : i32
      %scan3A_23 = arith.constant 250 : i32
      %scan3A_24 = arith.addi %scan3A_22, %scan3A_23 : i32
      %scan3A_25 = arith.constant 1 : i32
      %scan3A_26 = scf.for %scan3A_29 = %scan3A_22 to %scan3A_24 step %scan3A_25 iter_args(%scan3A_30 = %scan3A_21) -> (i32)  : i32 {
        %mul3A_31 = arith.constant 16 : i32
        %mul3A_32 = arith.muli %scan3A_29, %mul3A_31 : i32
        %get3A = arith.index_cast %mul3A_32 : i32 to index
        %get3A_33 = tpu.vector_load %arg8[%get3A] {strides = array<i32>} : memref<4000xi32, #tpu.memory_space<vmem>>, vector<16xi32>,
        %get3A_34 = arith.index_cast %mul3A_32 : i32 to index
        %get3A_35 = tpu.vector_load %arg9[%get3A_34] {strides = array<i32>} : memref<4000xi32, #tpu.memory_space<vmem>>, vector<16xi32>,
        %add3A_36 = arith.constant 0 : i32
        %add3A_37 = vector.broadcast %add3A_36 : i32 to vector<16xi32>
        %add3A_38 = arith.addi %get3A_33, %add3A_37 : vector<16xi32>
        %add3A_39 = arith.constant 0 : i32
        %add3A_40 = vector.broadcast %add3A_39 : i32 to vector<16xi32>
        %add3A_41 = arith.addi %get3A_35, %add3A_40 : vector<16xi32>
        %gather3A = tpu.vector_load_idx %arg6[%add3A_41] : memref<40000xf32, #tpu.memory_space<vmem>>[vector<16xi32>], vector<16xf32>,
        %gather3A_42 = tpu.vector_load_idx %arg7[%add3A_38] : memref<40000xf32, #tpu.memory_space<vmem>>[vector<16xi32>], vector<16xf32>,
        %max3A = arith.maximumf %gather3A_42, %gather3A : vector<16xf32>
        tpu.vector_store_idx %arg7[%add3A_38], %max3A : memref<40000xf32, #tpu.memory_space<vmem>>[vector<16xi32>], vector<16xf32>,
        %add3A_43 = arith.constant 10000 : i32
        %add3A_44 = vector.broadcast %add3A_43 : i32 to vector<16xi32>
        %add3A_45 = arith.addi %get3A_33, %add3A_44 : vector<16xi32>
        %add3A_46 = arith.constant 10000 : i32
        %add3A_47 = vector.broadcast %add3A_46 : i32 to vector<16xi32>
        %add3A_48 = arith.addi %get3A_35, %add3A_47 : vector<16xi32>
        %gather3A_49 = tpu.vector_load_idx %arg6[%add3A_48] : memref<40000xf32, #tpu.memory_space<vmem>>[vector<16xi32>], vector<16xf32>,
        %gather3A_50 = tpu.vector_load_idx %arg7[%add3A_45] : memref<40000xf32, #tpu.memory_space<vmem>>[vector<16xi32>], vector<16xf32>,
        %max3A_51 = arith.maximumf %gather3A_50, %gather3A_49 : vector<16xf32>
        tpu.vector_store_idx %arg7[%add3A_45], %max3A_51 : memref<40000xf32, #tpu.memory_space<vmem>>[vector<16xi32>], vector<16xf32>,
        %add3A_52 = arith.constant 20000 : i32
        %add3A_53 = vector.broadcast %add3A_52 : i32 to vector<16xi32>
        %add3A_54 = arith.addi %get3A_33, %add3A_53 : vector<16xi32>
        %add3A_55 = arith.constant 20000 : i32
        %add3A_56 = vector.broadcast %add3A_55 : i32 to vector<16xi32>
        %add3A_57 = arith.addi %get3A_35, %add3A_56 : vector<16xi32>
        %gather3A_58 = tpu.vector_load_idx %arg6[%add3A_57] : memref<40000xf32, #tpu.memory_space<vmem>>[vector<16xi32>], vector<16xf32>,
        %gather3A_59 = tpu.vector_load_idx %arg7[%add3A_54] : memref<40000xf32, #tpu.memory_space<vmem>>[vector<16xi32>], vector<16xf32>,
        %max3A_60 = arith.maximumf %gather3A_59, %gather3A_58 : vector<16xf32>
        tpu.vector_store_idx %arg7[%add3A_54], %max3A_60 : memref<40000xf32, #tpu.memory_space<vmem>>[vector<16xi32>], vector<16xf32>,
        %add3A_61 = arith.constant 30000 : i32
        %add3A_62 = vector.broadcast %add3A_61 : i32 to vector<16xi32>
        %add3A_63 = arith.addi %get3A_33, %add3A_62 : vector<16xi32>
        %add3A_64 = arith.constant 30000 : i32
        %add3A_65 = vector.broadcast %add3A_64 : i32 to vector<16xi32>
        %add3A_66 = arith.addi %get3A_35, %add3A_65 : vector<16xi32>
        %gather3A_67 = tpu.vector_load_idx %arg6[%add3A_66] : memref<40000xf32, #tpu.memory_space<vmem>>[vector<16xi32>], vector<16xf32>,
        %gather3A_68 = tpu.vector_load_idx %arg7[%add3A_63] : memref<40000xf32, #tpu.memory_space<vmem>>[vector<16xi32>], vector<16xf32>,
        %max3A_69 = arith.maximumf %gather3A_68, %gather3A_67 : vector<16xf32>
        tpu.vector_store_idx %arg7[%add3A_63], %max3A_69 : memref<40000xf32, #tpu.memory_space<vmem>>[vector<16xi32>], vector<16xf32>,
        %while3A = arith.constant 0 : i32
        %while3A_70 = scf.while (%while3A_72 = %while3A) : (i32) -> i32 {
          %gather3A_73 = tpu.vector_load_idx %arg7[%add3A_38] : memref<40000xf32, #tpu.memory_space<vmem>>[vector<16xi32>], vector<16xf32>,
          %lt3A = arith.cmpf olt, %gather3A_73, %gather3A : vector<16xf32>
          %gather3A_74 = tpu.vector_load_idx %arg7[%add3A_45] : memref<40000xf32, #tpu.memory_space<vmem>>[vector<16xi32>], vector<16xf32>,
          %lt3A_75 = arith.cmpf olt, %gather3A_74, %gather3A_49 : vector<16xf32>
          %or3A = arith.ori %lt3A, %lt3A_75 : vector<16xi1>
          %gather3A_76 = tpu.vector_load_idx %arg7[%add3A_54] : memref<40000xf32, #tpu.memory_space<vmem>>[vector<16xi32>], vector<16xf32>,
          %lt3A_77 = arith.cmpf olt, %gather3A_76, %gather3A_58 : vector<16xf32>
          %or3A_78 = arith.ori %or3A, %lt3A_77 : vector<16xi1>
          %gather3A_79 = tpu.vector_load_idx %arg7[%add3A_63] : memref<40000xf32, #tpu.memory_space<vmem>>[vector<16xi32>], vector<16xf32>,
          %lt3A_80 = arith.cmpf olt, %gather3A_79, %gather3A_67 : vector<16xf32>
          %or3A_81 = arith.ori %or3A_78, %lt3A_80 : vector<16xi1>
          %reduce_or3A = arith.constant 1.000000e+00 : f32
          %reduce_or3A_82 = arith.constant 0.000000e+00 : f32
          %reduce_or3A_83 = vector.broadcast %reduce_or3A : f32 to vector<16xf32>
          %reduce_or3A_84 = vector.broadcast %reduce_or3A_82 : f32 to vector<16xf32>
          %reduce_or3A_85 = arith.select %or3A_81, %reduce_or3A_83, %reduce_or3A_84 : vector<16xi1>, vector<16xf32>
          %reduce_or3A_86 = arith.constant true
          %reduce_or3A_87 = vector.broadcast %reduce_or3A_86 : i1 to vector<16xi1>
          %reduce_or3A_88 = tpu.scan <max>, %reduce_or3A_85 masked %reduce_or3A_87 : vector<16xf32>, vector<16xi1> -> vector<16xf32>
          %reduce_or3A_89 = vector.extract %reduce_or3A_88[15] : f32 from vector<16xf32>
          %reduce_or3A_90 = arith.constant 0.000000e+00 : f32
          %reduce_or3A_91 = arith.cmpf ogt, %reduce_or3A_89, %reduce_or3A_90 : f32
          scf.condition(%reduce_or3A_91) %while3A_72 : i32
        } do {
        ^bb0(%while3A_72: i32):
          %gather3A_73 = tpu.vector_load_idx %arg7[%add3A_38] : memref<40000xf32, #tpu.memory_space<vmem>>[vector<16xi32>], vector<16xf32>,
          %max3A_74 = arith.maximumf %gather3A_73, %gather3A : vector<16xf32>
          %lt3A = arith.cmpf olt, %gather3A_73, %gather3A : vector<16xf32>
          tpu.vector_store_idx %arg7[%add3A_38], %max3A_74 masked %lt3A : memref<40000xf32, #tpu.memory_space<vmem>>[vector<16xi32>], vector<16xf32>, vector<16xi1>
          %gather3A_75 = tpu.vector_load_idx %arg7[%add3A_45] : memref<40000xf32, #tpu.memory_space<vmem>>[vector<16xi32>], vector<16xf32>,
          %max3A_76 = arith.maximumf %gather3A_75, %gather3A_49 : vector<16xf32>
          %lt3A_77 = arith.cmpf olt, %gather3A_75, %gather3A_49 : vector<16xf32>
          tpu.vector_store_idx %arg7[%add3A_45], %max3A_76 masked %lt3A_77 : memref<40000xf32, #tpu.memory_space<vmem>>[vector<16xi32>], vector<16xf32>, vector<16xi1>
          %gather3A_78 = tpu.vector_load_idx %arg7[%add3A_54] : memref<40000xf32, #tpu.memory_space<vmem>>[vector<16xi32>], vector<16xf32>,
          %max3A_79 = arith.maximumf %gather3A_78, %gather3A_58 : vector<16xf32>
          %lt3A_80 = arith.cmpf olt, %gather3A_78, %gather3A_58 : vector<16xf32>
          tpu.vector_store_idx %arg7[%add3A_54], %max3A_79 masked %lt3A_80 : memref<40000xf32, #tpu.memory_space<vmem>>[vector<16xi32>], vector<16xf32>, vector<16xi1>
          %gather3A_81 = tpu.vector_load_idx %arg7[%add3A_63] : memref<40000xf32, #tpu.memory_space<vmem>>[vector<16xi32>], vector<16xf32>,
          %max3A_82 = arith.maximumf %gather3A_81, %gather3A_67 : vector<16xf32>
          %lt3A_83 = arith.cmpf olt, %gather3A_81, %gather3A_67 : vector<16xf32>
          tpu.vector_store_idx %arg7[%add3A_63], %max3A_82 masked %lt3A_83 : memref<40000xf32, #tpu.memory_space<vmem>>[vector<16xi32>], vector<16xf32>, vector<16xi1>
          %while3A_84 = arith.constant 0 : i32
          scf.yield %while3A_84 : i32
        }
        %scan3A_71 = arith.constant 0 : i32
        scf.yield %scan3A_71 : i32
      }
      %scan3A_27 = arith.constant 250 : i32
      %scan3A_28 = arith.constant 0 : i32
      scf.yield %scan3A_28 : i32
    }
    %scan3A_16 = arith.constant 80 : i32
    "tpu.region"() ({
      %run_scoped3A = tpu.sem_alloc : memref<!tpu.dma_semaphore, #tpu.memory_space<semaphore_mem>>
      %dma_start3A = tpu.memref_slice %arg5[%mul3A_2] : memref<1280000xf32, #tpu.memory_space<hbm>> -> memref<40000xf32, #tpu.memory_space<hbm>>
      %dma_start3A_17 = tpu.memref_slice %arg5[%mul3A_2] : memref<1280000xf32, #tpu.memory_space<hbm>> -> memref<40000xf32, #tpu.memory_space<hbm>>
      tpu.enqueue_dma source(%arg7 : memref<40000xf32, #tpu.memory_space<vmem>>) target(%dma_start3A_17 : memref<40000xf32, #tpu.memory_space<hbm>>) target_semaphore(%run_scoped3A : memref<!tpu.dma_semaphore, #tpu.memory_space<semaphore_mem>>)
      %dma_wait3A = tpu.memref_slice %arg5[%mul3A_2] : memref<1280000xf32, #tpu.memory_space<hbm>> -> memref<40000xf32, #tpu.memory_space<hbm>>
      %dma_wait3A_18 = tpu.memref_slice %arg5[%mul3A_2] : memref<1280000xf32, #tpu.memory_space<hbm>> -> memref<40000xf32, #tpu.memory_space<hbm>>
      tpu.wait_dma2 semaphore(%run_scoped3A : memref<!tpu.dma_semaphore, #tpu.memory_space<semaphore_mem>>) src(%arg7 : memref<40000xf32, #tpu.memory_space<vmem>>) dst(%dma_wait3A_18 : memref<40000xf32, #tpu.memory_space<hbm>>)
      tpu.yield
    }) : () -> ()
    return
  }
}

module attributes {stable_mosaic.version = 14 : i64} {
  func.func @body(%arg0: memref<128x10000xf32, #tpu.memory_space<vmem>>, %arg1: memref<128x10000xf32, #tpu.memory_space<vmem>>, %arg2: memref<128x128xf32, #tpu.memory_space<vmem>>, %arg3: memref<128x128xf32, #tpu.memory_space<vmem>>, %arg4: memref<128x1xf32, #tpu.memory_space<vmem>>, %arg5: memref<128x10000xf32, #tpu.memory_space<vmem>>) attributes {dimension_semantics = [], scalar_prefetch = 0 : i64, scratch_operands = 0 : i64, tpu.core_type = #tpu.core_type<tc>} {
    %get3A = arith.constant 0 : index
    %get3A_0 = arith.constant 0 : index
    %get3A_1 = vector.load %arg0[%get3A, %get3A_0] : memref<128x10000xf32, #tpu.memory_space<vmem>>, vector<128x10000xf32>
    %get3A_2 = arith.constant 0 : index
    %get3A_3 = arith.constant 0 : index
    %get3A_4 = vector.load %arg1[%get3A_2, %get3A_3] : memref<128x10000xf32, #tpu.memory_space<vmem>>, vector<128x10000xf32>
    %eq3A = arith.constant 0xFF800000 : f32
    %eq3A_5 = vector.broadcast %eq3A : f32 to vector<128x10000xf32>
    %eq3A_6 = arith.cmpf oeq, %get3A_4, %eq3A_5 : vector<128x10000xf32>
    %sub3A = arith.subf %get3A_4, %get3A_1 : vector<128x10000xf32>
    %jit3A = arith.constant 0.000000e+00 : f32
    %broadcast_in_dim3A = vector.broadcast %jit3A : f32 to vector<128x10000xf32>
    %select_n3A = arith.select %eq3A_6, %broadcast_in_dim3A, %sub3A : vector<128x10000xi1>, vector<128x10000xf32>
    %get3A_7 = arith.constant 0 : index
    %get3A_8 = arith.constant 0 : index
    %get3A_9 = vector.load %arg2[%get3A_7, %get3A_8] : memref<128x128xf32, #tpu.memory_space<vmem>>, vector<128x128xf32>
    %dot_general3A = arith.constant dense<0.000000e+00> : vector<128x10000xf32>
    %dot_general3A_10 = tpu.matmul %get3A_9, %get3A_1, %dot_general3A {dimension_numbers = #tpu.dot_dimension_numbers<[1], [0], [0], [1], [0, 0, 1, 1], [], []>, precision = #tpu.contract_precision<fp32>, transpose_lhs_hint = false} : vector<128x128xf32>, vector<128x10000xf32>, vector<128x10000xf32> -> vector<128x10000xf32>
    %get3A_11 = arith.constant 0 : index
    %get3A_12 = arith.constant 0 : index
    %get3A_13 = vector.load %arg3[%get3A_11, %get3A_12] : memref<128x128xf32, #tpu.memory_space<vmem>>, vector<128x128xf32>
    %dot_general3A_14 = arith.constant dense<0.000000e+00> : vector<128x10000xf32>
    %dot_general3A_15 = tpu.matmul %get3A_13, %select_n3A, %dot_general3A_14 {dimension_numbers = #tpu.dot_dimension_numbers<[1], [0], [0], [1], [0, 0, 1, 1], [], []>, precision = #tpu.contract_precision<fp32>, transpose_lhs_hint = false} : vector<128x128xf32>, vector<128x10000xf32>, vector<128x10000xf32> -> vector<128x10000xf32>
    %add3A = arith.addf %dot_general3A_10, %dot_general3A_15 : vector<128x10000xf32>
    %get3A_16 = arith.constant 0 : index
    %get3A_17 = arith.constant 0 : index
    %get3A_18 = vector.load %arg4[%get3A_16, %get3A_17] : memref<128x1xf32, #tpu.memory_space<vmem>>, vector<128x1xf32>
    %add3A_19 = vector.broadcast %get3A_18 : vector<128x1xf32> to vector<128x10000xf32>
    %add3A_20 = arith.addf %add3A, %add3A_19 : vector<128x10000xf32>
    %max3A = arith.constant 0.000000e+00 : f32
    %max3A_21 = vector.broadcast %max3A : f32 to vector<128x10000xf32>
    %max3A_22 = arith.maximumf %add3A_20, %max3A_21 : vector<128x10000xf32>
    %swap3A = arith.constant 0 : index
    %swap3A_23 = arith.constant 0 : index
    %swap3A_24 = vector.load %arg5[%swap3A, %swap3A_23] : memref<128x10000xf32, #tpu.memory_space<vmem>>, vector<128x10000xf32>
    tpu.vector_store %arg5[%swap3A, %swap3A_23], %max3A_22 {strides = array<i32>} : memref<128x10000xf32, #tpu.memory_space<vmem>>, vector<128x10000xf32>,
    return
  }
}

</mosaic_0001>

<sc_bundles>
// kernel: kernel.4.cloned.1.call-start
scs
__scs_entry_jumppad:
0x0: {  	(pc) =	sbr.rel $0x88, $3  }
0x1: {  	(tag) =	ssettag $0x0;
	lr =	simm.s32 $0x1  }
0x2: {  	[smem:$0x3F9D] =	sst lr;
	_ =	strace $0xD0000000  }
0x3: {  	_ = 	snop  }
0x4: {  	_ = 	snop  }
0x5: {  	_ = 	snop  }
0x6: {  	_ = 	snop  }
0x7: {  	_ = 	snop  }
__scs_overlays_trampoline_lowered:
0x8: {  	[smem:$0x3FAC] =	sst s0  }
0x9: {  	[smem:$0x3FAD] =	sst s1  }
0xa: {  	[smem:$0x3FAE] =	sst s2  }
0xb: {  	[smem:$0x3FAF] =	sst s3  }
0xc: {  	[smem:$0x3FB0] =	sst s4  }
0xd: {  	[smem:$0x3FB1] =	sst s5  }
0xe: {  	[smem:$0x3FB2] =	sst s6  }
0xf: {  	[smem:$0x3FB3] =	sst s7  }
0x10: {  	[smem:$0x3FB4] =	sst s8  }
0x11: {  	[smem:$0x3FB5] =	sst s9;
	s0 =	simm.s32 @!p0 $0x0  }
0x12: {  	s1 =	sld [smem:$0x3F9B];
	s0 =	simm.s32 @p0 $0x1  }
0x13: {  	[smem:$0x3FB6] =	sst s0;
	s0 =	simm.s32 @!p1 $0x0  }
0x14: {  	s2 =	sld [smem:$0x3F9A];
	s0 =	simm.s32 @p1 $0x1  }
0x15: {  	[smem:$0x3FB7] =	sst s0;
	s0 =	simm.s32 @!p2 $0x0  }
0x16: {  	s3 =	sld [smem:$0x3FDB];
	s0 =	simm.s32 @p2 $0x1  }
0x17: {  	s4 =	simm.s32 $0x1BF5;
	[smem:$0x3FB9] =	sst s0  }
0x18: {  	s0 =	sld [smem:$0x3F9C];
	_ =	swait.ge [sflag:s4], $0x0  }
0x19: {  	s7 =	sld [smem:$0x3F9D]  }
0x1a: {  	s8 =	sadd.s32 $0xFFFFE003, lr  }
0x1b: {  	s9 =	sadd.s32 $0xFFFFFEF7, lr;
	s5 =	simm.s32 $0xFFFFFFFF;
	p2 =	slt.u32 s8, $0xFFFFF086  }
0x1c: {  	p1 =	slt.u32 s9, $0xF7A;
	s5 =	simm.s32 @!p2 $0x0  }
0x1d: {  	s5 =	simm.s32 @p1 $0x1;
	p0 =	seq.s32 s7, s2  }
0x1e: {  	s7 =	smul.u32 @!p0 $0xF7A, s2;
	p2 =	seq.s32 @!p0 s5, $0x0  }
0x1f: {  	s9 =	smul.u32 $0xF7A, s1;
	s8 =	simm.s32 @!p0 $0x1BF5;
	p2 =	por !p2, p0  }
0x20: {  	[sflag:s8] =	ssyncset.s32 @!p0 $0xFFFFF086;
	s6 =	sadd.s32 @!p0 s3, s7;
	s7 =	simm.s32 @!p0 $0x108  }
0x21: {  	s3 =	sadd.s32 s3, s9;
	s6 =	sadd.s32 @!p0 $0x88, s6;
	s7 =	simm.s32 @p2 $0x1082  }
0x22: {  	[simem:s7], [sflag:s8] =	dma.local @!p0 [hbm:s6], $0xF7A  }
0x23: {  	s9 =	sor.u32 $0xD0000000, s2;
	s6 =	simm.s32 $0x108;
	_ =	swait.ge @!p0 [sflag:s8], $0x0  }
0x24: {  	s3 =	sadd.s32 $0x88, s3;
	s6 =	simm.s32 @!p1 $0x1082;
	[sflag:s4] =	ssyncset.s32 $0xFFFFF086  }
0x25: {  	[simem:s6], [sflag:s4] =	dma.local [hbm:s3], $0xF7A  }
0x26: {  	[smem:$0x3F9D] =	sst s1;
	(tag) =	ssettag s2;
	_ =	strace s9  }
0x27: {  	s1 =	sld [smem:$0x3FAD]  }
0x28: {  	s2 =	sld [smem:$0x3FAE]  }
0x29: {  	s4 =	sld [smem:$0x3FB0]  }
0x2a: {  	p0 =	seq.s32 s5, $0x0;
	s5 =	sld [smem:$0x3FB1]  }
0x2b: {  	s6 =	sld [smem:$0x3FB2]  }
0x2c: {  	s7 =	sld [smem:$0x3FB3]  }
0x2d: {  	s3 =	simm.s32 $0x108;
	s8 =	sld [smem:$0x3FB4]  }
0x2e: {  	s3 =	simm.s32 @!p0 $0x1082;
	s9 =	sld [smem:$0x3FB5]  }
0x2f: {  	lr =	sadd.s32 s0, s3;
	s0 =	sld [smem:$0x3FAC]  }
0x30: {  	s3 =	sld [smem:$0x3FAF]  }
0x31: {  	[smem:$0x3FB8] =	sst s10  }
0x32: {  	s10 =	sld [smem:$0x3FB6];
	_ =	sdelay $0x3  }
0x33: {  	p0 =	seq.s32 s10, $0x1;
	s10 =	sld [smem:$0x3FB8];
	_ =	sdelay $0x3  }
0x34: {  	[smem:$0x3FB8] =	sst s10  }
0x35: {  	s10 =	sld [smem:$0x3FB7];
	_ =	sdelay $0x3  }
0x36: {  	p1 =	seq.s32 s10, $0x1;
	s10 =	sld [smem:$0x3FB8];
	_ =	sdelay $0x3  }
0x37: {  	[smem:$0x3FB8] =	sst s10  }
0x38: {  	s10 =	sld [smem:$0x3FB9]  }
0x39: {  	_ = 	snop;
	(pc) =	sbr.ind lr, $3  }
0x3a: {  	_ = 	snop  }
0x3b: {  	_ = 	snop  }
0x3c: {  	p2 =	seq.s32 s10, $0x1;
	s10 =	sld [smem:$0x3FB8]  }
0x3d: {  	_ =	shalt  }
0x3e: {  	_ =	shalt  }
0x3f: {  	_ =	shalt  }
0x40: {  	_ =	shalt  }
0x41: {  	_ =	shalt  }
0x42: {  	_ =	shalt  }
0x43: {  	_ =	shalt  }
0x44: {  	_ =	shalt  }
0x45: {  	_ =	shalt  }
0x46: {  	_ =	shalt  }
0x47: {  	_ =	shalt  }
0x48: {  	_ =	shalt  }
0x49: {  	_ =	shalt  }
0x4a: {  	_ =	shalt  }
0x4b: {  	_ =	shalt  }
0x4c: {  	_ =	shalt  }
0x4d: {  	_ =	shalt  }
0x4e: {  	_ =	shalt  }
0x4f: {  	_ =	shalt  }
0x50: {  	_ =	shalt  }
0x51: {  	_ =	shalt  }
0x52: {  	_ =	shalt  }
0x53: {  	_ =	shalt  }
0x54: {  	_ =	shalt  }
0x55: {  	_ =	shalt  }
0x56: {  	_ =	shalt  }
0x57: {  	_ =	shalt  }
0x58: {  	_ =	shalt  }
0x59: {  	_ =	shalt  }
0x5a: {  	_ =	shalt  }
0x5b: {  	_ =	shalt  }
0x5c: {  	_ =	shalt  }
0x5d: {  	_ =	shalt  }
0x5e: {  	_ =	shalt  }
0x5f: {  	_ =	shalt  }
0x60: {  	_ =	shalt  }
0x61: {  	_ =	shalt  }
0x62: {  	_ =	shalt  }
0x63: {  	_ =	shalt  }
0x64: {  	_ =	shalt  }
0x65: {  	_ =	shalt  }
0x66: {  	_ =	shalt  }
0x67: {  	_ =	shalt  }
0x68: {  	_ =	shalt  }
0x69: {  	_ =	shalt  }
0x6a: {  	_ =	shalt  }
0x6b: {  	_ =	shalt  }
0x6c: {  	_ =	shalt  }
0x6d: {  	_ =	shalt  }
0x6e: {  	_ =	shalt  }
0x6f: {  	_ =	shalt  }
0x70: {  	_ =	shalt  }
0x71: {  	_ =	shalt  }
0x72: {  	_ =	shalt  }
0x73: {  	_ =	shalt  }
0x74: {  	_ =	shalt  }
0x75: {  	_ =	shalt  }
0x76: {  	_ =	shalt  }
0x77: {  	_ =	shalt  }
0x78: {  	_ =	shalt  }
0x79: {  	_ =	shalt  }
0x7a: {  	_ =	shalt  }
0x7b: {  	_ =	shalt  }
0x7c: {  	_ =	shalt  }
0x7d: {  	_ =	shalt  }
0x7e: {  	_ =	shalt  }
0x7f: {  	_ =	shalt  }
0x80: {  	_ =	shalt  }
0x81: {  	_ =	shalt  }
0x82: {  	_ =	shalt  }
0x83: {  	_ =	shalt  }
0x84: {  	_ =	shalt  }
0x85: {  	_ =	shalt  }
0x86: {  	_ =	shalt  }
0x87: {  	_ =	shalt  }
.Lfunc_end0:
.L_simem_size_0:
called_computation_lowered:
.L_overlay_start_0:
0x88: {  	s2 =	sld [smem:$0x3FD9]  }
0x89: {  	s3 =	sld [smem:$0x3FFE];
	_ =	sdelay $0x1  }
0x8a: {  	s1 =	srdreg.scid  }
0x8b: {  	s0 =	sand.u32 $0x1, s1  }
0x8c: {  	s17 =	sshll.u32 s0, $0xA;
	s2 =	sadd.s32 s3, s2  }
0x8d: {  	s2 =	sadd.s32 s2, s17  }
0x8e: {  	[smem:$0x3FC4] =	sst s2  }
0x8f: {  	_ = 	snop  }
0x90: {  	s2 =	sld [smem:$0x3FD0];
	(tm) =	ssettm $0x1  }
0x91: {  	s18 =	sld [smem:$0x3FFB];
	_ =	sdelay $0x3  }
0x92: {  	_ =	strace s18  }
0x93: {  	s3 =	sld [smem:$0x3FFC];
	_ =	sdelay $0x3  }
0x94: {  	_ =	strace s3  }
0x95: {  	s3 =	sld [smem:$0x3FFD];
	_ =	sdelay $0x3  }
0x96: {  	_ =	strace s3  }
0x97: {  	_ =	strace $0x8FFFFFFF  }
0x98: {  	s19 =	sld [smem:$0x3FDB];
	_ =	sdelay $0x1  }
0x99: {  	s4 =	simm.s32 $_scs_section_size  }
0x9a: {  	s5 =	simm.s32 $_size__tile_overlayer_lowered;
	s6 =	simm.s32 $_tile_overlayer_lowered  }
0x9b: {  	s22 =	simm.s32 $0x1BFF;
	s21 =	sshll.u32 s6, $0x1;
	s3 =	sadd.s32 s4, s19  }
0x9c: {  	s7 =	simm.s32 $0x0;
	s20 =	sshll.u32 s5, $0x1;
	s5 =	sadd.s32 s21, s3  }
0x9d: {  	[timem:s7], [sflag:s22] =	dma.local [hbm:s5], s20  }
0x9e: {  	_ =	swait.ge [sflag:s22], s20  }
0x9f: {  	s4 =	ssub.s32 $0x0, s20;
	[sflag:s22] =	ssyncset.done $0x0  }
0xa0: {  	[sflag:s22] =	ssyncadd.s32 s4;
	_ =	sdelay $0x1  }
0xa1: {  	s23 =	simm.s32 $0x1B8B  }
0xa2: {  	_ =	swait.ge [sflag:s23], $0x1  }
0xa3: {  	[sflag:s23] =	ssyncset.done $0x0  }
0xa4: {  	s25 =	simm.s32 $0x1B8E;
	s24 =	sld [smem:$0x3FFE];
	[sflag:s23] =	ssyncadd.s32 $0xFFFFFFFF  }
0xa5: {  	s26 =	simm.s32 $execute0_lowered;
	[smem:$0x3FD2] =	sst s25  }
0xa6: {  	s5 =	sshll.u32 s26, $0x1;
	_ =	strace $0x80000046;
	[dreg:$0x1] =	wrdreg $0xFFFFFFFF  }
0xa7: {  	s28 =	simm.s32 $_size_execute0_lowered;
	s3 =	sadd.s32 s3, s5;
	[dreg:$0x0] =	wrdreg $0x0  }
0xa8: {  	s5 =	sshll.u32 s28, $0x1;
	[dreg:$0x2] =	wrdreg s3  }
0xa9: {  	[dreg:$0x3] =	wrdreg s5  }
0xaa: {  	[dreg:$0x4] =	wrdreg $0xC0  }
0xab: {  	_ =	task [dreg:s7], $0x5FFFF  }
0xac: {  	[dreg:$0x1] =	wrdreg $0xFFFFFFFF  }
0xad: {  	[dreg:$0x0] =	wrdreg $0x60  }
0xae: {  	[dreg:$0x2] =	wrdreg s2  }
0xaf: {  	[dreg:$0x3] =	wrdreg s24  }
0xb0: {  	[dreg:$0x4] =	wrdreg $0x9  }
0xb1: {  	_ =	task.clear_ibuf [dreg:s7], $0x5FFFF;
	_ =	strace $0x90000046  }
0xb2: {  	s29 =	simm.s32 $0x9;
	_ =	strace $0x80000048  }
0xb3: {  	_ =	swait.ge [sflag:s29], $0x1  }
0xb4: {  	[sflag:s29] =	ssyncadd.s32 $0xFFFFFFFF  }
0xb5: {  	_ =	strace $0x90000048  }
0xb6: {  	_ =	sfence  }
0xb7: {  	s30 =	sld [smem:$0x0];
	_ =	sdelay $0x2  }
0xb8: {  	s31 =	sshll.u32 s1, $0xD;
	s1 =	sshrl.u32 s1, $0x2  }
0xb9: {  	s3 =	sand.u32 $0x4000, s31;
	s1 =	sadd.s32 s1, s30  }
0xba: {  	s0 =	sor.u32 s3, s0;
	s1 =	sshll.u32 s1, $0x11  }
0xbb: {  	s0 =	sor.u32 s1, s0  }
0xbc: {  	s0 =	sadd.s32 $0x8F2B, s0  }
0xbd: {  	[sflag:s0] =	ssyncadd.remote.s32 $0x1  }
0xbe: {  	_ =	sfence.sel $0xFFFF  }
0xbf: {  	[dreg:$0x0] =	wrdreg $0xFFFFFFFF;
	(pc) =	sbr.abs _section_cstart, $3  }
0xc0: {  	[dreg:$0x1] =	wrdreg $0xFFFFFFFF  }
0xc1: {  	_ =	task.clear_ibuf [dreg:s7], $0x2FFFF;
	_ =	strace $0x9FFFFFFF  }
0xc2: {  	(tm) =	ssettm $0x7FFFFFFF  }
0xc3: {  	_ =	shalt  }
tec
execute0_lowered:
.L_overlay_start_1:
0x0: {  	(tag) =	ssettag $0x1  }
0x1: {  	s5 =	rddreg [dreg:$0x0]  }
0x2: {  	s1 =	srdreg.scid;
	s0 =	stileid.u32  }
0x3: {  	s6 =	rddreg [dreg:$0x1];
	s2 =	simm.s32 $0x0;
	s10 =	simm.s32 $0x14900  }
0x4: {  	s11 =	simm.s32 $0x9C80;
	s4 =	sand.u32 $0x1, s1;
	s1 =	rddreg [dreg:$0x2]  }
0x5: {  	s12 =	simm.s32 $0x0;
	s3 =	sshll.u32 s0, $0x1;
	[smem:$0x7FF] =	sst s2  }
.Ltmp0:
0x6: {  	s3 =	sor.u32 s4, s3;
	s8 =	ssub.s32 $0x2, s4;
	(pc) =	sbr.rel .LBB2_1-.Ltmp0, $4  }
0x7: {  	_ =	strace $0x80000047;
	s7 =	smul.u32 $0x1388, s3;
	s9 =	sshrl.u32 s8, $0x1  }
0x8: {  	s4 =	sadd.s32 $0x200, s6;
	s3 =	sadd.s32 $0xA000, s6;
	s8 =	ssub.s32 s8, s9  }
0x9: {  	s9 =	simm.s32 $0x13900;
	s6 =	sadd.s32 s7, s6;
	s5 =	sadd.s32 s5, s7  }
0xa: {  	v0 =	vimm.f32 $-Inf;
	v1 =	vimm.f32 $0.0e+00;
	s7 =	smax.u32 s8, $0x1;
	s8 =	simm.s32 $0x1;
	s6 =	sadd.s32 $0x13E00, s6  }
.LBB2_9:
0xb: {  	s12 =	sadd.s32 $0x1, s12  }
0xc: {  	p0 =	sne.s32 s12, s7  }
.Ltmp1:
0xd: {  	_ = 	snop;
	(pc) =	sbr.rel @!p0 .LBB2_10-.Ltmp1, $4  }
0xe: {  	[hbm4b:s6+s2] =	stream.linear.scatter [tilespmem:s11], [sflag:$0x1], $0x9C40, $0x38;
	[tilespmem:$0x15900] =	vst v63  }
0xf: {  	_ =	swait.ge [sflag:s8], $0x9C40  }
0x10: {  	[sflag:s8] =	ssyncset.done $0x0  }
0x11: {  	[sflag:s8] =	ssyncadd.s32 $0xFFFF63C0  }
.LBB2_1:
0x12: {  	[tilespmem:s2], [sflag:$0x1] =	stream.linear.gather [hbm4b:s5+s2], $0x9C40, $0x38;
	[tilespmem:$0x15900] =	vst v63  }
0x13: {  	_ =	swait.ge [sflag:s8], $0x9C40  }
0x14: {  	[sflag:s8] =	ssyncset.done $0x0  }
0x15: {  	s13 =	simm.s32 $0x40;
	s14 =	simm.s32 $0x0;
	[sflag:s8] =	ssyncadd.s32 $0xFFFF63C0  }
.LBB2_2:
0x16: {  	p0 =	sne.s32 s13, $0x270C0;
	[tilespmem:s14+$0x9C80] =	vst v0;
	s14 =	smov.u32 s13;
	s13 =	sadd.s32 $0x40, s13  }
.Ltmp2:
0x17: {  	(pc) =	sbr.rel @p0 .LBB2_2-.Ltmp2, $2  }
0x18: {  	_ =	sdelay $0x2  }
0x19: {  	s14 =	sshra.s32 s14, $0x2  }
.Ltmp3:
0x1a: {  	(pc) =	sbr.rel .LBB2_4-.Ltmp3, $2  }
0x1b: {  	_ =	sdelay $0x2  }
0x1c: {  	[tilespmem:s14+$0x9C80] =	vst v0;
	s13 =	simm.s32 $0x0;
	s14 =	simm.s32 $0x0  }
.LBB2_8:
0x1d: {  	s14 =	sadd.s32 $0x1, s14  }
0x1e: {  	p0 =	sne.s32 s14, $0x50  }
.Ltmp4:
0x1f: {  	_ = 	snop;
	(pc) =	sbr.rel @!p0 .LBB2_9-.Ltmp4, $1  }
0x20: {  	_ =	sdelay $0x3  }
.LBB2_4:
0x21: {  	s15 =	smul.u32 $0x1F4, s14;
	_ =	sdelay $0x1  }
0x22: {  	s16 =	sadd.s32 s3, s15  }
0x23: {  	[tilespmem:s9], [sflag:$0x1] =	stream.linear.gather [hbm4b:s16+s13], $0xFA0, $0x38;
	[tilespmem:$0x15900] =	vst v63  }
0x24: {  	_ =	swait.ge [sflag:s8], $0xFA0  }
0x25: {  	[sflag:s8] =	ssyncset.done $0x0  }
.Ltmp5:
0x26: {  	s15 =	sadd.s32 s4, s15;
	[sflag:s8] =	ssyncadd.s32 $0xFFFFF060;
	(pc) =	sbr.rel .LBB2_5-.Ltmp5, $4  }
0x27: {  	[tilespmem:s10], [sflag:$0x1] =	stream.linear.gather [hbm4b:s15+s13], $0xFA0, $0x38;
	[tilespmem:$0x15900] =	vst v63  }
0x28: {  	_ =	swait.ge [sflag:s8], $0xFA0  }
0x29: {  	[sflag:s8] =	ssyncset.done $0x0  }
0x2a: {  	s15 =	simm.s32 $0x0;
	[sflag:s8] =	ssyncadd.s32 $0xFFFFF060  }
.LBB2_7:
0x2b: {  	s15 =	sadd.s32 $0x1, s15  }
0x2c: {  	p0 =	sne.s32 s15, $0xFA  }
.Ltmp6:
0x2d: {  	_ = 	snop;
	(pc) =	sbr.rel @!p0 .LBB2_8-.Ltmp6, $1  }
0x2e: {  	_ =	sdelay $0x3  }
.LBB2_5:
0x2f: {  	s16 =	sshll.u32 s15, $0x4  }
0x30: {  	v8 =	vld [tilespmem:s16+$0x14900]  }
0x31: {  	v2 =	vld [tilespmem:s16+$0x13900];
	_ =	sdelay $0x6  }
0x32: {  	v3 =	vld.idx.msk [tilespmem:v8+s2+$0x0], $0xffff  }
0x33: {  	v5 =	vld.idx.msk [tilespmem:v2+s11+$0x0], $0xffff;
	_ =	sdelay $0x1  }
0x34: {  	v6 =	vadd.s32 $0x2710, v8  }
0x35: {  	v4 =	vadd.s32 $0x2710, v2;
	_ =	sdelay $0x1  }
0x36: {  	v5 =	vmax.f32 v5, v3  }
0x37: {  	[tilespmem:v2+s11+$0x0] =	vst.idx.msk $0xffff, v5  }
0x38: {  	v5 =	vld.idx.msk [tilespmem:v6+s2+$0x0], $0xffff  }
0x39: {  	v7 =	vld.idx.msk [tilespmem:v4+s11+$0x0], $0xffff;
	_ =	sdelay $0x1  }
0x3a: {  	v9 =	vadd.s32 $0x4E20, v8  }
0x3b: {  	v6 =	vadd.s32 $0x4E20, v2;
	_ =	sdelay $0x1  }
0x3c: {  	v7 =	vmax.f32 v7, v5  }
0x3d: {  	[tilespmem:v4+s11+$0x0] =	vst.idx.msk $0xffff, v7  }
0x3e: {  	v7 =	vld.idx.msk [tilespmem:v9+s2+$0x0], $0xffff  }
0x3f: {  	v9 =	vld.idx.msk [tilespmem:v6+s11+$0x0], $0xffff;
	_ =	sdelay $0x1  }
0x40: {  	v10 =	vadd.s32 $0x7530, v8  }
0x41: {  	v8 =	vadd.s32 $0x7530, v2;
	_ =	sdelay $0x1  }
0x42: {  	v9 =	vmax.f32 v9, v7  }
0x43: {  	[tilespmem:v6+s11+$0x0] =	vst.idx.msk $0xffff, v9  }
0x44: {  	v9 =	vld.idx.msk [tilespmem:v10+s2+$0x0], $0xffff  }
0x45: {  	v10 =	vld.idx.msk [tilespmem:v8+s11+$0x0], $0xffff;
	_ =	sdelay $0x4  }
0x46: {  	v10 =	vmax.f32 v10, v9  }
0x47: {  	[tilespmem:v8+s11+$0x0] =	vst.idx.msk $0xffff, v10  }
0x48: {  	v11 =	vld.idx.msk [tilespmem:v4+s11+$0x0], $0xffff  }
0x49: {  	v12 =	vld.idx.msk [tilespmem:v6+s11+$0x0], $0xffff  }
0x4a: {  	v13 =	vld.idx.msk [tilespmem:v8+s11+$0x0], $0xffff  }
0x4b: {  	v10 =	vld.idx.msk [tilespmem:v2+s11+$0x0], $0xffff;
	_ =	sdelay $0x2  }
0x4c: {  	vm0 =	vlt.f32 v11, v5;
	vm1 =	vlt.f32 v12, v7  }
0x4d: {  	vm2 =	vlt.f32 v13, v9;
	vm1 =	vmor vm0, vm1  }
0x4e: {  	vm0 =	vlt.f32 v10, v3;
	vm1 =	vmor vm1, vm2  }
0x4f: {  	vm1 =	vmor vm0, vm1  }
0x50: {  	v11 =	vsel vm1, $0x3F800000, v1  }
0x51: {  	(xrf0) =	vmax.scan.msk.f32 $0xffff, v11;
	_ =	sdelay $0x5  }
0x52: {  	v11, _, _ =	vpop (xrf0)  }
0x53: {  	(v2sf) =	vpush v11, $0xF;
	_ =	sdelay $0xe  }
0x54: {  	s31 =	spop (v2sf)  }
0x55: {  	p0 =	sgt.f32 s31, $0.0e+00  }
.Ltmp7:
0x56: {  	_ = 	snop;
	(pc) =	sbr.rel @!p0 .LBB2_7-.Ltmp7, $1  }
0x57: {  	_ =	sdelay $0x3  }
.LBB2_6:
0x58: {  	v10 =	vmax.f32 v10, v3  }
0x59: {  	[tilespmem:v2+s11+$0x0] =	vst.idx.msk vm0, v10  }
0x5a: {  	v10 =	vld.idx.msk [tilespmem:v4+s11+$0x0], $0xffff;
	_ =	sdelay $0x4  }
0x5b: {  	vm0 =	vlt.f32 v10, v5;
	_ =	sdelay $0x4  }
0x5c: {  	v10 =	vmax.f32 v10, v5  }
0x5d: {  	[tilespmem:v4+s11+$0x0] =	vst.idx.msk vm0, v10  }
0x5e: {  	v10 =	vld.idx.msk [tilespmem:v6+s11+$0x0], $0xffff;
	_ =	sdelay $0x4  }
0x5f: {  	vm0 =	vlt.f32 v10, v7;
	_ =	sdelay $0x4  }
0x60: {  	v10 =	vmax.f32 v10, v7  }
0x61: {  	[tilespmem:v6+s11+$0x0] =	vst.idx.msk vm0, v10  }
0x62: {  	v10 =	vld.idx.msk [tilespmem:v8+s11+$0x0], $0xffff;
	_ =	sdelay $0x4  }
0x63: {  	vm0 =	vlt.f32 v10, v9;
	_ =	sdelay $0x4  }
0x64: {  	v10 =	vmax.f32 v10, v9  }
0x65: {  	[tilespmem:v8+s11+$0x0] =	vst.idx.msk vm0, v10  }
0x66: {  	v11 =	vld.idx.msk [tilespmem:v4+s11+$0x0], $0xffff  }
0x67: {  	v12 =	vld.idx.msk [tilespmem:v6+s11+$0x0], $0xffff  }
0x68: {  	v13 =	vld.idx.msk [tilespmem:v8+s11+$0x0], $0xffff  }
0x69: {  	v10 =	vld.idx.msk [tilespmem:v2+s11+$0x0], $0xffff;
	_ =	sdelay $0x2  }
0x6a: {  	vm0 =	vlt.f32 v11, v5;
	vm1 =	vlt.f32 v12, v7  }
0x6b: {  	vm2 =	vlt.f32 v13, v9;
	vm1 =	vmor vm0, vm1  }
0x6c: {  	vm0 =	vlt.f32 v10, v3;
	vm1 =	vmor vm1, vm2  }
0x6d: {  	vm1 =	vmor vm0, vm1  }
0x6e: {  	v11 =	vsel vm1, $0x3F800000, v1  }
0x6f: {  	(xrf0) =	vmax.scan.msk.f32 $0xffff, v11;
	_ =	sdelay $0x5  }
0x70: {  	v11, _, _ =	vpop (xrf0)  }
0x71: {  	(v2sf) =	vpush v11, $0xF;
	_ =	sdelay $0xe  }
0x72: {  	s16 =	spop (v2sf)  }
0x73: {  	p0 =	sgt.f32 s16, $0.0e+00  }
.Ltmp8:
0x74: {  	_ = 	snop;
	(pc) =	sbr.rel @p0 .LBB2_6-.Ltmp8, $1  }
0x75: {  	_ =	sdelay $0x3  }
.Ltmp9:
0x76: {  	_ = 	snop;
	(pc) =	sbr.rel .LBB2_7-.Ltmp9, $1  }
0x77: {  	_ =	sdelay $0x3  }
.LBB2_10:
0x78: {  	_ =	sfence.sel $0x180000  }
0x79: {  	[bflag:$0x0] =	sbarrier.arrive $0xFFFF  }
0x7a: {  	p0 =	sne.s32 s0, $0x0;
	_ =	strace $0x90000047  }
0x7b: {  	s0 =	sadd.s32 @!p0 $0x100000, s1;
	[bflag:$0x2] =	sbarrier.arrive $0xFFFF  }
0x7c: {  	[sflag:s0] =	ssyncadd.tile.s32 @!p0 $0x1;
	_ =	shalt  }
.Lfunc_end2:
_tile_overlayer_lowered:
.L_overlay_start_2:
0x7d: {  	(tag) =	ssettag $0x2  }
0x7e: {  	s0 =	rddreg [dreg:$0x0];
	s2 =	stileid.u32  }
0x7f: {  	s1 =	rddreg [dreg:$0x1];
	p0 =	sne.s32 s2, $0x0  }
0x80: {  	s3 =	rddreg [dreg:$0x2];
	[bflag:$0x3] =	sbarrier.arrive $0xFFFF;
	s2 =	simm.s32 @!p0 $0x1C01  }
0x81: {  	[timem:s3], [sflag:s2] =	dma.local @!p0 [hbm:s0], s1  }
0x82: {  	s0 =	simm.s32 @!p0 $0x1  }
0x83: {  	_ =	swait.ge @!p0 [sflag:s0], s1  }
0x84: {  	s1 =	ssub.s32 @!p0 $0x0, s1;
	[sflag:s0] =	ssyncset.done @!p0 $0x0  }
0x85: {  	[sflag:s0] =	ssyncadd.s32 @!p0 s1  }
0x86: {  	[bflag:$0x3] =	sbarrier.arrive $0xFFFF  }
0x87: {  	_ =	shalt  }

</sc_bundles>
